<compile_context>
chip_gen: v7x
topology: tpu7x:2x2x1
jax: 0.10.2.dev20260603
libtpu: 0.0.44.dev20260713+nightly
codegen_flags: <defaults>
</compile_context>

<pallas_src>
import jax
import jax.numpy as jnp
from jax.experimental import pallas as pl
from jax.experimental.pallas import tpu as pltpu

B2, L, H, D = 16, 2048, 16, 128
HD = H * D
BR = 512
PER_B = L // BR
GRID = (B2 * L) // BR


def _copy_scatter_body(idx_ref, src_ref, row_ref, out_ref):
    i = pl.program_id(0)
    out_ref[...] = src_ref[...]
    r = idx_ref[0] - (i % PER_B) * BR
    @pl.when(jnp.logical_and(r >= 0, r < BR))
    def _():
        out_ref[pl.ds(r, 1), :] = row_ref[0]


def _one_cache(cache2d, row2d, idx):
    return pl.pallas_call(
        _copy_scatter_body,
        grid=(GRID,),
        in_specs=[
            pl.BlockSpec(memory_space=pltpu.MemorySpace.SMEM),
            pl.BlockSpec((BR, HD), lambda i: (i, 0)),
            pl.BlockSpec((1, 1, HD), lambda i: (i // PER_B, 0, 0)),
        ],
        out_specs=pl.BlockSpec((BR, HD), lambda i: (i, 0)),
        out_shape=jax.ShapeDtypeStruct((B2 * L, HD), jnp.float32),
    )(idx, cache2d, row2d)


def kernel(cache_k, cache_v, k, v, current_idx):
    ck = cache_k.reshape(B2 * L, HD)
    cv = cache_v.reshape(B2 * L, HD)
    k2 = k.reshape(B2, 1, HD)
    v2 = v.reshape(B2, 1, HD)
    idx = jnp.asarray(current_idx, jnp.int32).reshape(1)

    ok = _one_cache(ck, k2, idx)
    ov = _one_cache(cv, v2, idx)
    return ok.reshape(B2, L, H, D), ov.reshape(B2, L, H, D)

# --- scband reference (transcript-rebuilt; emitter-appended) ---
"""Pipeline reference for scband-kvcache-30279519437368 (READ-ONLY COPY).

The authoritative reference and input builder live on the scoring server;
editing this copy changes nothing except your own understanding.
"""

import jax, jax.numpy as jnp
import numpy as np

B2, L, H, D = 16, 2048, 16, 128


def setup_inputs(seed: int = 0) -> dict:
    key = jax.random.key(seed)
    k1, k2 = jax.random.split(key)
    cache_k = jnp.zeros((B2, L, H, D), dtype=jnp.float32)
    cache_v = jnp.zeros((B2, L, H, D), dtype=jnp.float32)
    k = jax.random.normal(k1, (B2, 1, H, D), dtype=jnp.float32)
    v = jax.random.normal(k2, (B2, 1, H, D), dtype=jnp.float32)
    current_idx = 1000
    return {"cache_k": cache_k, "cache_v": cache_v, "k": k, "v": v, "current_idx": current_idx}


def reference(cache_k, cache_v, k, v, current_idx):
    # KVCache.update: scatter-overwrite one time-step slot in the cache
    new_k = cache_k.at[:, current_idx, :, :].set(k.squeeze(1))
    new_v = cache_v.at[:, current_idx, :, :].set(v.squeeze(1))
    return (new_k, new_v)

if __name__ == "__main__":
    import jax
    _d = setup_inputs()
    print(jax.jit(kernel)(*tuple(_d.values())))

</pallas_src>

<mosaic_0001>
module attributes {stable_mosaic.version = 14 : i64} {
  func.func @_copy_scatter_body(%arg0: i32, %arg1: memref<1xi32, #tpu.memory_space<smem>>, %arg2: memref<512x2048xf32, #tpu.memory_space<vmem>>, %arg3: memref<1x1x2048xf32, #tpu.memory_space<vmem>>, %arg4: memref<512x2048xf32, #tpu.memory_space<vmem>>) attributes {dimension_semantics = [#tpu.dimension_semantics<arbitrary>], iteration_bounds = array<i64: 64>, scalar_prefetch = 0 : i64, scratch_operands = 0 : i64, tpu.core_type = #tpu.core_type<tc>, window_params = [{transform_indices = @transform_0, window_bounds = array<i64: 1>}, {transform_indices = @transform_1, window_bounds = array<i64: 512, 2048>}, {transform_indices = @transform_2, window_bounds = array<i64: 1, 1, 2048>}, {transform_indices = @transform_3, window_bounds = array<i64: 512, 2048>}]} {
    %get3A = arith.constant 0 : index
    %get3A_0 = arith.constant 0 : index
    %get3A_1 = vector.load %arg2[%get3A, %get3A_0] : memref<512x2048xf32, #tpu.memory_space<vmem>>, vector<512x2048xf32>
    %swap3A = arith.constant 0 : index
    %swap3A_2 = arith.constant 0 : index
    %swap3A_3 = vector.load %arg4[%swap3A, %swap3A_2] : memref<512x2048xf32, #tpu.memory_space<vmem>>, vector<512x2048xf32>
    tpu.vector_store %arg4[%swap3A, %swap3A_2], %get3A_1 {strides = array<i32>} : memref<512x2048xf32, #tpu.memory_space<vmem>>, vector<512x2048xf32>,
    %get3A_4 = arith.constant 0 : index
    %get3A_5 = memref.load %arg1[%get3A_4] : memref<1xi32, #tpu.memory_space<smem>>
    %jit3A = arith.constant 4 : i32
    %eq3A = arith.constant 0 : i32
    %eq3A_6 = arith.cmpi eq, %jit3A, %eq3A : i32
    %jit3A_7 = arith.constant 1 : i32
    %select_n3A = arith.select %eq3A_6, %jit3A_7, %jit3A : i32
    %rem3A = arith.remsi %arg0, %select_n3A : i32
    %ne3A = arith.constant 0 : i32
    %ne3A_8 = arith.cmpi ne, %rem3A, %ne3A : i32
    %lt3A = arith.constant 0 : i32
    %lt3A_9 = arith.cmpi slt, %rem3A, %lt3A : i32
    %lt3A_10 = arith.constant 0 : i32
    %lt3A_11 = arith.cmpi slt, %select_n3A, %lt3A_10 : i32
    %ne3A_12 = arith.xori %lt3A_9, %lt3A_11 : i1
    %and3A = arith.andi %ne3A_12, %ne3A_8 : i1
    %add3A = arith.addi %rem3A, %select_n3A : i32
    %select_n3A_13 = arith.select %and3A, %add3A, %rem3A : i32
    %mul3A = arith.constant 512 : i32
    %mul3A_14 = arith.muli %select_n3A_13, %mul3A : i32
    %sub3A = arith.subi %get3A_5, %mul3A_14 : i32
    %ge3A = arith.constant 0 : i32
    %ge3A_15 = arith.cmpi sge, %sub3A, %ge3A : i32
    %lt3A_16 = arith.constant 512 : i32
    %lt3A_17 = arith.cmpi slt, %sub3A, %lt3A_16 : i32
    %and3A_18 = arith.andi %ge3A_15, %lt3A_17 : i1
    %convert_element_type3A = arith.extui %and3A_18 : i1 to i32
    %cond3A = arith.constant 0 : i32
    %cond3A_19 = arith.cmpi ne, %convert_element_type3A, %cond3A : i32
    scf.if %cond3A_19 {
      %get3A_20 = arith.constant 0 : index
      %get3A_21 = arith.constant 0 : index
      %get3A_22 = arith.constant 0 : index
      %get3A_23 = vector.load %arg3[%get3A_20, %get3A_21, %get3A_22] : memref<1x1x2048xf32, #tpu.memory_space<vmem>>, vector<1x1x2048xf32>
      %get3A_24 = vector.shape_cast %get3A_23 : vector<1x1x2048xf32> to vector<1x2048xf32>
      %swap3A_25 = arith.index_cast %sub3A : i32 to index
      %swap3A_26 = arith.constant 0 : index
      %swap3A_27 = vector.load %arg4[%swap3A_25, %swap3A_26] : memref<512x2048xf32, #tpu.memory_space<vmem>>, vector<1x2048xf32>
      tpu.vector_store %arg4[%swap3A_25, %swap3A_26], %get3A_24 {strides = array<i32>} : memref<512x2048xf32, #tpu.memory_space<vmem>>, vector<1x2048xf32>,
    } else {
    }
    return
  }
  func.func @transform_0(%arg0: i32) -> i32 {
    %c0_i32 = arith.constant 0 : i32
    %c0_i32_0 = arith.constant 0 : i32
    return %c0_i32 : i32
  }
  func.func @transform_1(%arg0: i32) -> (i32, i32) {
    %c0_i32 = arith.constant 0 : i32
    %c0_i32_0 = arith.constant 0 : i32
    return %arg0, %c0_i32 : i32, i32
  }
  func.func @transform_2(%arg0: i32) -> (i32, i32, i32) {
    %jit3A = arith.constant 4 : i32
    %div3A = arith.divsi %arg0, %jit3A : i32
    %sign3A = arith.constant 0 : i32
    %sign3A_0 = arith.cmpi sgt, %arg0, %sign3A : i32
    %sign3A_1 = arith.extui %sign3A_0 : i1 to i32
    %sign3A_2 = arith.constant 0 : i32
    %sign3A_3 = arith.cmpi slt, %arg0, %sign3A_2 : i32
    %sign3A_4 = arith.extui %sign3A_3 : i1 to i32
    %sign3A_5 = arith.subi %sign3A_1, %sign3A_4 : i32
    %sign3A_6 = arith.constant 0 : i32
    %sign3A_7 = arith.cmpi sgt, %jit3A, %sign3A_6 : i32
    %sign3A_8 = arith.extui %sign3A_7 : i1 to i32
    %sign3A_9 = arith.constant 0 : i32
    %sign3A_10 = arith.cmpi slt, %jit3A, %sign3A_9 : i32
    %sign3A_11 = arith.extui %sign3A_10 : i1 to i32
    %sign3A_12 = arith.subi %sign3A_8, %sign3A_11 : i32
    %ne3A = arith.cmpi ne, %sign3A_5, %sign3A_12 : i32
    %rem3A = arith.remsi %arg0, %jit3A : i32
    %ne3A_13 = arith.constant 0 : i32
    %ne3A_14 = arith.cmpi ne, %rem3A, %ne3A_13 : i32
    %and3A = arith.andi %ne3A, %ne3A_14 : i1
    %sub3A = arith.constant 1 : i32
    %sub3A_15 = arith.subi %div3A, %sub3A : i32
    %select_n3A = arith.select %and3A, %sub3A_15, %div3A : i32
    %c0_i32 = arith.constant 0 : i32
    %c0_i32_16 = arith.constant 0 : i32
    %c0_i32_17 = arith.constant 0 : i32
    return %select_n3A, %c0_i32, %c0_i32_16 : i32, i32, i32
  }
  func.func @transform_3(%arg0: i32) -> (i32, i32) {
    %c0_i32 = arith.constant 0 : i32
    %c0_i32_0 = arith.constant 0 : i32
    return %arg0, %c0_i32 : i32, i32
  }
}

</mosaic_0001>

<sc_bundles>
// kernel: sparse-core-data-format-call.1.cloned.1.call-start
scs
called_computation.1_lowered:
.L_overlay_start_0:
0x0: {  	s2 =	sld [smem:$0x3FD9]  }
0x1: {  	s3 =	sld [smem:$0x3FFE];
	_ =	sdelay $0x1  }
0x2: {  	s1 =	srdreg.scid  }
0x3: {  	s0 =	sand.u32 $0x1, s1  }
0x4: {  	s17 =	sshll.u32 s0, $0xA;
	s2 =	sadd.s32 s3, s2  }
0x5: {  	s2 =	sadd.s32 s2, s17  }
0x6: {  	[smem:$0x3FC3] =	sst s2  }
0x7: {  	_ = 	snop  }
0x8: {  	s18 =	sld [smem:$0x3FD0];
	_ =	sdelay $0x2  }
0x9: {  	s4 =	simm.s32 $0xB;
	s5 =	simm.s32 $0x10;
	s2 =	sld [smem:$0x3FC8]  }
0xa: {  	[smem:s5], [sflag:s4] =	dma.local [hbm:s18], $0x1  }
0xb: {  	_ =	swait.eq [sflag:s4], $0x1  }
0xc: {  	[sflag:s4] =	ssyncset.done $0x0  }
0xd: {  	[sflag:s4] =	ssyncadd.s32 $0xFFFFFFFF  }
0xe: {  	s19 =	sld [smem:$0x11];
	(tm) =	ssettm $0x1  }
0xf: {  	s20 =	sld [smem:$0x3FFB];
	_ =	sdelay $0x3  }
0x10: {  	_ =	strace s20  }
0x11: {  	s3 =	sld [smem:$0x3FFC];
	_ =	sdelay $0x3  }
0x12: {  	_ =	strace s3  }
0x13: {  	s3 =	sld [smem:$0x3FFD];
	_ =	sdelay $0x3  }
0x14: {  	_ =	strace s3  }
0x15: {  	_ =	strace $0x8FFFFFFF  }
0x16: {  	s21 =	sld [smem:$0x3FDB];
	_ =	sdelay $0x1  }
0x17: {  	s22 =	simm.s32 $_scs_section_size  }
0x18: {  	s6 =	simm.s32 $_size__tile_overlayer_lowered;
	s7 =	simm.s32 $_tile_overlayer_lowered  }
0x19: {  	s8 =	simm.s32 $0x1BFF;
	s23 =	sshll.u32 s7, $0x1;
	s5 =	sadd.s32 s22, s21  }
0x1a: {  	s24 =	simm.s32 $0x0;
	s6 =	sshll.u32 s6, $0x1;
	s7 =	sadd.s32 s23, s5  }
0x1b: {  	[timem:s24], [sflag:s8] =	dma.local [hbm:s7], s6  }
0x1c: {  	_ =	swait.ge [sflag:s8], s6  }
0x1d: {  	s6 =	ssub.s32 $0x0, s6;
	[sflag:s8] =	ssyncset.done $0x0  }
0x1e: {  	[sflag:s8] =	ssyncadd.s32 s6;
	_ =	sdelay $0x1  }
0x1f: {  	s25 =	simm.s32 $0x1B8B  }
0x20: {  	_ =	swait.ge [sflag:s25], $0x1  }
0x21: {  	[sflag:s25] =	ssyncset.done $0x0  }
0x22: {  	[sflag:s25] =	ssyncadd.s32 $0xFFFFFFFF  }
0x23: {  	s6 =	sld [smem:$0x0]  }
0x24: {  	s7 =	sand.u32 $0xFFFFFFFE, s1  }
0x25: {  	p0 =	sne.s32 s1, s7  }
0x26: {  	s7 =	sshll.u32 @p0 s7, $0xE  }
0x27: {  	s7 =	sadd.s32 @p0 $0x11B8D, s7;
	s8 =	sshll.u32 @p0 s6, $0x11  }
0x28: {  	s7 =	sor.u32 @p0 s8, s7  }
0x29: {  	[sflag:s7] =	ssyncadd.remote.s32 @p0 $0x1;
	_ =	sdelay $0x1  }
0x2a: {  	s7 =	simm.s32 @p0 $0x1B8D  }
0x2b: {  	_ =	swait.eq @p0 [sflag:s7], $0x1  }
0x2c: {  	[sflag:s7] =	ssyncadd.s32 @p0 $0xFFFFFFFF  }
0x2d: {  	s8 =	sshll.u32 @!p0 s1, $0xE  }
0x2e: {  	s8 =	sor.u32 @!p0 $0x4000, s8;
	s7 =	simm.s32 @!p0 $0x1B8D  }
0x2f: {  	s6 =	sshll.u32 @!p0 s6, $0x11;
	s8 =	sadd.s32 @!p0 $0x11B8D, s8;
	_ =	swait.eq @!p0 [sflag:s7], $0x1  }
0x30: {  	s6 =	sor.u32 @!p0 s6, s8;
	[sflag:s7] =	ssyncadd.s32 @!p0 $0xFFFFFFFF  }
0x31: {  	s26 =	simm.s32 $0x1B8E;
	[sflag:s6] =	ssyncadd.remote.s32 @!p0 $0x1  }
0x32: {  	s27 =	simm.s32 $execute0_lowered;
	[smem:$0x3FD2] =	sst s26  }
0x33: {  	s6 =	sshll.u32 s27, $0x1;
	_ =	strace $0x80000049;
	[dreg:$0x1] =	wrdreg $0xFFFFFFFF  }
0x34: {  	s28 =	simm.s32 $_size_execute0_lowered;
	s5 =	sadd.s32 s5, s6;
	[dreg:$0x0] =	wrdreg $0x0  }
0x35: {  	s6 =	sshll.u32 s28, $0x1;
	[dreg:$0x2] =	wrdreg s5  }
0x36: {  	[dreg:$0x3] =	wrdreg s6  }
0x37: {  	[dreg:$0x4] =	wrdreg $0xC0  }
0x38: {  	_ =	task [dreg:s24], $0x5FFFF  }
0x39: {  	[dreg:$0x1] =	wrdreg $0xFFFFFFFF  }
0x3a: {  	[dreg:$0x0] =	wrdreg $0x60  }
0x3b: {  	[dreg:$0x2] =	wrdreg s2  }
0x3c: {  	[dreg:$0x3] =	wrdreg s19  }
0x3d: {  	[dreg:$0x4] =	wrdreg $0x9  }
0x3e: {  	_ =	task.clear_ibuf [dreg:s24], $0x5FFFF;
	_ =	strace $0x90000049  }
0x3f: {  	s29 =	simm.s32 $0x9;
	_ =	strace $0x8000004B  }
0x40: {  	_ =	swait.ge [sflag:s29], $0x1  }
0x41: {  	[sflag:s29] =	ssyncadd.s32 $0xFFFFFFFF  }
0x42: {  	_ =	strace $0x9000004B  }
0x43: {  	_ =	sfence  }
0x44: {  	s30 =	sld [smem:$0x0];
	_ =	sdelay $0x2  }
0x45: {  	s31 =	sshll.u32 s1, $0xD;
	s1 =	sshrl.u32 s1, $0x2  }
0x46: {  	s4 =	sand.u32 $0x4000, s31;
	s1 =	sadd.s32 s1, s30  }
0x47: {  	s0 =	sor.u32 s4, s0;
	s1 =	sshll.u32 s1, $0x11  }
0x48: {  	s0 =	sor.u32 s1, s0  }
0x49: {  	s0 =	sadd.s32 $0x8F2B, s0  }
0x4a: {  	[sflag:s0] =	ssyncadd.remote.s32 $0x1  }
0x4b: {  	_ =	sfence.sel $0xFFFF  }
0x4c: {  	[dreg:$0x0] =	wrdreg $0xFFFFFFFF;
	(pc) =	sbr.abs _section_cstart, $3  }
0x4d: {  	[dreg:$0x1] =	wrdreg $0xFFFFFFFF  }
0x4e: {  	_ =	task.clear_ibuf [dreg:s24], $0x2FFFF;
	_ =	strace $0x9FFFFFFF  }
0x4f: {  	(tm) =	ssettm $0x7FFFFFFF  }
tec
execute0_lowered:
.L_overlay_start_1:
0x0: {  	(tag) =	ssettag $0x1  }
0x1: {  	s2 =	rddreg [dreg:$0x0]  }
0x2: {  	s3 =	rddreg [dreg:$0x1]  }
0x3: {  	s0 =	rddreg [dreg:$0x2];
	s4 =	srdreg.scid  }
.Ltmp0:
0x4: {  	_ =	strace $0x8000004A;
	s1 =	stileid.u32;
	(pc) =	sbr.rel .LBB1_1-.Ltmp0, $4  }
0x5: {  	s6 =	simm.s32 $0x2;
	p0 =	por $0x0, $0x0;
	s5 =	sshll.u32 s4, $0x4  }
0x6: {  	s9 =	simm.s32 $0x0;
	s4 =	simm.s32 $0x1;
	s5 =	sand.u32 $0x10, s5  }
0x7: {  	s7 =	simm.s32 $0x0;
	[sflag:s4] =	ssyncpa.u1 $0x0;
	s5 =	sor.u32 s1, s5  }
0x8: {  	[sflag:s6] =	ssyncpa.u1 $0x0;
	s6 =	simm.s32 $0x0;
	s8 =	smov.u32 s5  }
.LBB1_7:
0x9: {  	s11 =	sadd.s32 $0x20, s8  }
0xa: {  	p1 =	slt.u32 s7, $0x2;
	s7 =	sadd.s32 $0x1, s7;
	p2 =	sgt.s32 s11, $0xFFF  }
0xb: {  	s11 =	smov.u32 @p2 s5;
	p2 =	sne.s32 s7, $0x82  }
.Ltmp1:
0xc: {  	_ = 	snop;
	(pc) =	sbr.rel @!p2 .LBB1_8-.Ltmp1, $4  }
0xd: {  	s10 =	simm.s32 @!p1 $0x2  }
0xe: {  	_ =	swait.ge @!p1 [sflag:s10], $0x4000  }
0xf: {  	s9 =	smov.u32 s8;
	[sflag:s10] =	ssyncset.done @!p1 $0x0  }
0x10: {  	p0 =	por !p0, !p0;
	s8 =	smov.u32 s11;
	[sflag:s10] =	ssyncadd.s32 @!p1 $0xFFFFC000  }
.LBB1_1:
0x11: {  	p1 =	sgt.u32 s7, $0x7F  }
0x12: {  	s10 =	sxor.u32 @!p1 $0xFFFFFFFF, s7  }
0x13: {  	s11 =	sshll.u32 @!p1 s8, $0xB;
	s10 =	sshll.u32 @!p1 s10, $0xE  }
0x14: {  	s12 =	simm.s32 @!p1 $0x0;
	s11 =	sadd.s32 @!p1 s2, s11;
	s10 =	sand.u32 @!p1 $0x4000, s10  }
0x15: {  	[tilespmem:s10], [sflag:$0x1] =	stream.linear.gather @!p1 [hbm4b:s11+s12], $0x4000, $0x38;
	[tilespmem:$0x10000] =	vst v63  }
0x16: {  	p1 =	seq.s32 s7, $0x0  }
0x17: {  	p2 =	seq.s32 @!p1 s7, $0x81  }
0x18: {  	p1 =	por p1, p2  }
.Ltmp2:
0x19: {  	_ = 	snop;
	(pc) =	sbr.rel @p1 .LBB1_7-.Ltmp2, $1  }
0x1a: {  	_ =	sdelay $0x3  }
0x1b: {  	s10 =	simm.s32 $0x1;
	_ =	swait.ge [sflag:s4], $0x4000;
	s12 =	sshll.u32 s7, $0xE  }
0x1c: {  	s13 =	simm.s32 $0x0;
	s10 =	simm.s32 @!p0 $0x0;
	[sflag:s4] =	ssyncset.done $0x0  }
0x1d: {  	s12 =	sand.u32 $0x4000, s12;
	s11 =	sshll.u32 s10, $0xE;
	[sflag:s4] =	ssyncadd.s32 $0xFFFFC000  }
0x1e: {  	s12 =	sor.u32 $0x8000, s12;
	s10 =	sor.u32 $0x8040, s11;
	s11 =	sor.u32 $0x40, s11  }
.LBB1_3:
0x1f: {  	v0 =	vmov s11;
	_ =	sdelay $0x3  }
0x20: {  	s15 =	simm.s32 $0x0  }
0x21: {  	v6 =	vld.idx.msk [tilespmem:v0+s15+$0x30 ss:$0x1], $0xffff  }
0x22: {  	v7 =	vld.idx.msk [tilespmem:v0+s15+$0xFFFFFFC0 ss:$0x1], $0xffff  }
0x23: {  	v5 =	vld.idx.msk [tilespmem:v0+s15+$0xFFFFFFD0 ss:$0x1], $0xffff  }
0x24: {  	v4 =	vld.idx.msk [tilespmem:v0+s15+$0xFFFFFFE0 ss:$0x1], $0xffff  }
0x25: {  	v3 =	vld.idx.msk [tilespmem:v0+s15+$0xFFFFFFF0 ss:$0x1], $0xffff  }
0x26: {  	v1 =	vld.idx.msk [tilespmem:v0+s15+$0x0 ss:$0x1], $0xffff  }
0x27: {  	v2 =	vld.idx.msk [tilespmem:v0+s15+$0x10 ss:$0x1], $0xffff;
	[tilespmem:s10+$0x30] =	vst v6  }
0x28: {  	s14 =	simm.s32 $0x80;
	s16 =	simm.s32 $0x400;
	[tilespmem:s10+$0xFFFFFFC0] =	vst v7;
	v6 =	vld.idx.msk [tilespmem:v0+s15+$0x20 ss:$0x1], $0xffff;
	s15 =	smov.u32 s10  }
.LBB1_4:
0x29: {  	p1 =	sne.s32 s16, $0x1E00;
	v7 =	vld.idx.msk [tilespmem:v0+s14+$0x30 ss:$0x1], $0xffff;
	[tilespmem:s15+$0xFFFFFFD0] =	vst v5  }
0x2a: {  	v8 =	vld.idx.msk [tilespmem:v0+s14+$0xFFFFFFC0 ss:$0x1], $0xffff;
	[tilespmem:s15+$0xFFFFFFE0] =	vst v4  }
0x2b: {  	v5 =	vld.idx.msk [tilespmem:v0+s14+$0xFFFFFFD0 ss:$0x1], $0xffff;
	[tilespmem:s15+$0xFFFFFFF0] =	vst v3  }
.Ltmp3:
0x2c: {  	v4 =	vld.idx.msk [tilespmem:v0+s14+$0xFFFFFFE0 ss:$0x1], $0xffff;
	[tilespmem:s15+$0x0] =	vst v1;
	(pc) =	sbr.rel @p1 .LBB1_4-.Ltmp3, $4  }
0x2d: {  	v3 =	vld.idx.msk [tilespmem:v0+s14+$0xFFFFFFF0 ss:$0x1], $0xffff;
	[tilespmem:s15+$0x10] =	vst v2  }
0x2e: {  	v1 =	vld.idx.msk [tilespmem:v0+s14+$0x0 ss:$0x1], $0xffff;
	[tilespmem:s15+$0x20] =	vst v6;
	s15 =	sadd.s32 $0x400, s15  }
0x2f: {  	v2 =	vld.idx.msk [tilespmem:v0+s14+$0x10 ss:$0x1], $0xffff;
	[tilespmem:s15+$0x30] =	vst v7  }
0x30: {  	[tilespmem:s15+$0xFFFFFFC0] =	vst v8;
	v6 =	vld.idx.msk [tilespmem:v0+s14+$0x20 ss:$0x1], $0xffff;
	s14 =	sshra.s32 s16, $0x2;
	s16 =	sadd.s32 $0x200, s16  }
0x31: {  	_ =	sdelay $0x2  }
0x32: {  	[tilespmem:s15+$0xFFFFFFD0] =	vst v5  }
0x33: {  	v56 =	vld.idx.msk [tilespmem:v0+s14+$0x30 ss:$0x1], $0xffff;
	[tilespmem:s15+$0xFFFFFFE0] =	vst v4  }
0x34: {  	v57 =	vld.idx.msk [tilespmem:v0+s14+$0xFFFFFFC0 ss:$0x1], $0xffff;
	[tilespmem:s15+$0xFFFFFFF0] =	vst v3  }
0x35: {  	v58 =	vld.idx.msk [tilespmem:v0+s14+$0xFFFFFFD0 ss:$0x1], $0xffff;
	[tilespmem:s15+$0x0] =	vst v1  }
0x36: {  	v59 =	vld.idx.msk [tilespmem:v0+s14+$0xFFFFFFE0 ss:$0x1], $0xffff;
	[tilespmem:s15+$0x10] =	vst v2  }
0x37: {  	v60 =	vld.idx.msk [tilespmem:v0+s14+$0xFFFFFFF0 ss:$0x1], $0xffff;
	s31 =	sadd.s32 $0x400, s15;
	[tilespmem:s15+$0x20] =	vst v6  }
0x38: {  	v61 =	vld.idx.msk [tilespmem:v0+s14+$0x0 ss:$0x1], $0xffff;
	[tilespmem:s31+$0x30] =	vst v56  }
0x39: {  	v62 =	vld.idx.msk [tilespmem:v0+s14+$0x10 ss:$0x1], $0xffff;
	s13 =	sadd.s32 $0x1, s13;
	[tilespmem:s31+$0xFFFFFFC0] =	vst v57  }
0x3a: {  	v63 =	vld.idx.msk [tilespmem:v0+s14+$0x20 ss:$0x1], $0xffff;
	p1 =	sne.s32 s13, $0x8;
	[tilespmem:s31+$0xFFFFFFD0] =	vst v58  }
.Ltmp4:
0x3b: {  	[tilespmem:s31+$0xFFFFFFE0] =	vst v59;
	(pc) =	sbr.rel @p1 .LBB1_3-.Ltmp4, $4  }
0x3c: {  	[tilespmem:s31+$0xFFFFFFF0] =	vst v60  }
0x3d: {  	[tilespmem:s31+$0x0] =	vst v61  }
0x3e: {  	[tilespmem:s31+$0x10] =	vst v62  }
0x3f: {  	s10 =	sadd.s32 $0x80, s10;
	s11 =	sadd.s32 $0x800, s11;
	[tilespmem:s31+$0x20] =	vst v63  }
.Ltmp5:
0x40: {  	(pc) =	sbr.rel .LBB1_7-.Ltmp5, $4  }
0x41: {  	_ = 	snop  }
0x42: {  	s9 =	sshll.u32 s9, $0xB  }
0x43: {  	s9 =	sadd.s32 s3, s9  }
0x44: {  	[hbm4b:s9+s6] =	stream.linear.scatter [tilespmem:s12], [sflag:$0x2], $0x4000, $0x38;
	[tilespmem:$0x10000] =	vst v63  }
.LBB1_8:
0x45: {  	_ =	sfence.sel $0x180000  }
0x46: {  	s2 =	simm.s32 $0x1;
	[bflag:$0x0] =	sbarrier.arrive $0xFFFF  }
0x47: {  	s31 =	simm.s32 $0x2;
	[sflag:s2] =	ssyncpa.u1 $0x1  }
0x48: {  	[sflag:s31] =	ssyncpa.u1 $0x1  }
0x49: {  	p0 =	sne.s32 s1, $0x0;
	_ =	strace $0x9000004A  }
0x4a: {  	s0 =	sadd.s32 @!p0 $0x100000, s0;
	[bflag:$0x2] =	sbarrier.arrive $0xFFFF  }
0x4b: {  	[sflag:s0] =	ssyncadd.tile.s32 @!p0 $0x1;
	_ =	shalt  }
.Lfunc_end1:
_tile_overlayer_lowered:
.L_overlay_start_2:
0x4c: {  	(tag) =	ssettag $0x2  }
0x4d: {  	s0 =	rddreg [dreg:$0x0];
	s2 =	stileid.u32  }
0x4e: {  	s1 =	rddreg [dreg:$0x1];
	p0 =	sne.s32 s2, $0x0  }
0x4f: {  	s3 =	rddreg [dreg:$0x2];
	[bflag:$0x3] =	sbarrier.arrive $0xFFFF;
	s2 =	simm.s32 @!p0 $0x1C01  }
0x50: {  	[timem:s3], [sflag:s2] =	dma.local @!p0 [hbm:s0], s1  }
0x51: {  	s0 =	simm.s32 @!p0 $0x1  }
0x52: {  	_ =	swait.ge @!p0 [sflag:s0], s1  }
0x53: {  	s1 =	ssub.s32 @!p0 $0x0, s1;
	[sflag:s0] =	ssyncset.done @!p0 $0x0  }
0x54: {  	[sflag:s0] =	ssyncadd.s32 @!p0 s1  }
0x55: {  	[bflag:$0x3] =	sbarrier.arrive $0xFFFF  }
0x56: {  	_ =	shalt  }

// kernel: sparse-core-data-format-call.2.cloned.1.call-start
scs
called_computation.2_lowered:
.L_overlay_start_0:
0x0: {  	s2 =	sld [smem:$0x3FD9]  }
0x1: {  	s3 =	sld [smem:$0x3FFE];
	_ =	sdelay $0x1  }
0x2: {  	s1 =	srdreg.scid  }
0x3: {  	s0 =	sand.u32 $0x1, s1  }
0x4: {  	s16 =	sshll.u32 s0, $0xA;
	s2 =	sadd.s32 s3, s2  }
0x5: {  	s2 =	sadd.s32 s2, s16  }
0x6: {  	[smem:$0x3FC3] =	sst s2  }
0x7: {  	_ = 	snop  }
0x8: {  	s2 =	sld [smem:$0x3FD0];
	_ =	sdelay $0x2  }
0x9: {  	s17 =	simm.s32 $0xB;
	s4 =	simm.s32 $0x10  }
0xa: {  	[smem:s4], [sflag:s17] =	dma.local [hbm:s2], $0x1  }
0xb: {  	_ =	swait.eq [sflag:s17], $0x1  }
0xc: {  	[sflag:s17] =	ssyncset.done $0x0  }
0xd: {  	[sflag:s17] =	ssyncadd.s32 $0xFFFFFFFF  }
0xe: {  	s18 =	sld [smem:$0x10];
	(tm) =	ssettm $0x1  }
0xf: {  	s19 =	sld [smem:$0x3FFB];
	_ =	sdelay $0x3  }
0x10: {  	_ =	strace s19  }
0x11: {  	s2 =	sld [smem:$0x3FFC];
	_ =	sdelay $0x3  }
0x12: {  	_ =	strace s2  }
0x13: {  	s2 =	sld [smem:$0x3FFD];
	_ =	sdelay $0x3  }
0x14: {  	_ =	strace s2  }
0x15: {  	_ =	strace $0x8FFFFFFF  }
0x16: {  	s20 =	sld [smem:$0x3FDB];
	_ =	sdelay $0x1  }
0x17: {  	s21 =	simm.s32 $_scs_section_size  }
0x18: {  	s5 =	simm.s32 $_size__tile_overlayer_lowered;
	s6 =	simm.s32 $_tile_overlayer_lowered  }
0x19: {  	s7 =	simm.s32 $0x1BFF;
	s22 =	sshll.u32 s6, $0x1;
	s4 =	sadd.s32 s21, s20  }
0x1a: {  	s23 =	simm.s32 $0x0;
	s5 =	sshll.u32 s5, $0x1;
	s6 =	sadd.s32 s22, s4  }
0x1b: {  	[timem:s23], [sflag:s7] =	dma.local [hbm:s6], s5  }
0x1c: {  	_ =	swait.ge [sflag:s7], s5  }
0x1d: {  	s5 =	ssub.s32 $0x0, s5;
	[sflag:s7] =	ssyncset.done $0x0  }
0x1e: {  	[sflag:s7] =	ssyncadd.s32 s5;
	_ =	sdelay $0x1  }
0x1f: {  	s24 =	simm.s32 $0x1B8B  }
0x20: {  	_ =	swait.ge [sflag:s24], $0x1  }
0x21: {  	[sflag:s24] =	ssyncset.done $0x0  }
0x22: {  	[sflag:s24] =	ssyncadd.s32 $0xFFFFFFFF  }
0x23: {  	s5 =	sld [smem:$0x0]  }
0x24: {  	s6 =	sand.u32 $0xFFFFFFFE, s1  }
0x25: {  	p0 =	sne.s32 s1, s6  }
0x26: {  	s6 =	sshll.u32 @p0 s6, $0xE  }
0x27: {  	s6 =	sadd.s32 @p0 $0x11B8D, s6;
	s7 =	sshll.u32 @p0 s5, $0x11  }
0x28: {  	s6 =	sor.u32 @p0 s7, s6  }
0x29: {  	[sflag:s6] =	ssyncadd.remote.s32 @p0 $0x1;
	_ =	sdelay $0x1  }
0x2a: {  	s6 =	simm.s32 @p0 $0x1B8D  }
0x2b: {  	_ =	swait.eq @p0 [sflag:s6], $0x1  }
0x2c: {  	[sflag:s6] =	ssyncadd.s32 @p0 $0xFFFFFFFF  }
0x2d: {  	s7 =	sshll.u32 @!p0 s1, $0xE  }
0x2e: {  	s7 =	sor.u32 @!p0 $0x4000, s7;
	s6 =	simm.s32 @!p0 $0x1B8D  }
0x2f: {  	s5 =	sshll.u32 @!p0 s5, $0x11;
	s7 =	sadd.s32 @!p0 $0x11B8D, s7;
	_ =	swait.eq @!p0 [sflag:s6], $0x1  }
0x30: {  	s5 =	sor.u32 @!p0 s5, s7;
	[sflag:s6] =	ssyncadd.s32 @!p0 $0xFFFFFFFF  }
0x31: {  	s26 =	simm.s32 $0x1B8E;
	s25 =	sld [smem:$0x3FFE];
	[sflag:s5] =	ssyncadd.remote.s32 @!p0 $0x1  }
0x32: {  	s27 =	simm.s32 $execute0_lowered;
	[smem:$0x3FD2] =	sst s26  }
0x33: {  	s6 =	sshll.u32 s27, $0x1;
	_ =	strace $0x8000004C;
	[dreg:$0x1] =	wrdreg $0xFFFFFFFF  }
0x34: {  	s28 =	simm.s32 $_size_execute0_lowered;
	s4 =	sadd.s32 s4, s6;
	[dreg:$0x0] =	wrdreg $0x0  }
0x35: {  	s6 =	sshll.u32 s28, $0x1;
	[dreg:$0x2] =	wrdreg s4  }
0x36: {  	[dreg:$0x3] =	wrdreg s6  }
0x37: {  	[dreg:$0x4] =	wrdreg $0xC0  }
0x38: {  	_ =	task [dreg:s23], $0x5FFFF  }
0x39: {  	[dreg:$0x1] =	wrdreg $0xFFFFFFFF  }
0x3a: {  	[dreg:$0x0] =	wrdreg $0x60  }
0x3b: {  	[dreg:$0x2] =	wrdreg s25  }
0x3c: {  	[dreg:$0x3] =	wrdreg s18  }
0x3d: {  	[dreg:$0x4] =	wrdreg $0xA  }
0x3e: {  	_ =	task.clear_ibuf [dreg:s23], $0x5FFFF;
	_ =	strace $0x9000004C  }
0x3f: {  	s29 =	simm.s32 $0xA;
	_ =	strace $0x8000004E  }
0x40: {  	_ =	swait.ge [sflag:s29], $0x1  }
0x41: {  	[sflag:s29] =	ssyncadd.s32 $0xFFFFFFFF  }
0x42: {  	_ =	strace $0x9000004E  }
0x43: {  	_ =	sfence  }
0x44: {  	s30 =	sld [smem:$0x0];
	_ =	sdelay $0x2  }
0x45: {  	s31 =	sshll.u32 s1, $0xD;
	s1 =	sshrl.u32 s1, $0x2  }
0x46: {  	s4 =	sand.u32 $0x4000, s31;
	s1 =	sadd.s32 s1, s30  }
0x47: {  	s0 =	sor.u32 s4, s0;
	s1 =	sshll.u32 s1, $0x11  }
0x48: {  	s0 =	sor.u32 s1, s0  }
0x49: {  	s0 =	sadd.s32 $0x8F2B, s0  }
0x4a: {  	[sflag:s0] =	ssyncadd.remote.s32 $0x1  }
0x4b: {  	_ =	sfence.sel $0xFFFF  }
0x4c: {  	[dreg:$0x0] =	wrdreg $0xFFFFFFFF;
	(pc) =	sbr.abs _section_cstart, $3  }
0x4d: {  	[dreg:$0x1] =	wrdreg $0xFFFFFFFF  }
0x4e: {  	_ =	task.clear_ibuf [dreg:s23], $0x2FFFF;
	_ =	strace $0x9FFFFFFF  }
0x4f: {  	(tm) =	ssettm $0x7FFFFFFF  }
tec
execute0_lowered:
.L_overlay_start_1:
0x0: {  	(tag) =	ssettag $0x1  }
0x1: {  	s1 =	rddreg [dreg:$0x0]  }
0x2: {  	s2 =	rddreg [dreg:$0x1]  }
0x3: {  	s0 =	rddreg [dreg:$0x2];
	_ =	strace $0x8000004D;
	s4 =	srdreg.scid  }
.Ltmp0:
0x4: {  	s6 =	simm.s32 $0x2;
	p0 =	por $0x0, $0x0;
	(pc) =	sbr.rel .LBB1_1-.Ltmp0, $4  }
0x5: {  	s9 =	simm.s32 $0x0;
	s3 =	sadd.s32 $0x1600, s1;
	s5 =	sshll.u32 s4, $0x4  }
0x6: {  	s1 =	stileid.u32;
	s4 =	simm.s32 $0x1;
	s5 =	sand.u32 $0x10, s5  }
0x7: {  	s7 =	simm.s32 $0x0;
	[sflag:s4] =	ssyncpa.u1 $0x0;
	s5 =	sor.u32 s1, s5  }
0x8: {  	[sflag:s6] =	ssyncpa.u1 $0x0;
	s6 =	simm.s32 $0x0;
	s8 =	smov.u32 s5  }
.LBB1_7:
0x9: {  	s11 =	sadd.s32 $0x20, s8  }
0xa: {  	p1 =	slt.u32 s7, $0x2;
	s7 =	sadd.s32 $0x1, s7;
	p2 =	sgt.s32 s11, $0xFFF  }
0xb: {  	s11 =	smov.u32 @p2 s5;
	p2 =	sne.s32 s7, $0x82  }
.Ltmp1:
0xc: {  	_ = 	snop;
	(pc) =	sbr.rel @!p2 .LBB1_8-.Ltmp1, $4  }
0xd: {  	s10 =	simm.s32 @!p1 $0x2  }
0xe: {  	_ =	swait.ge @!p1 [sflag:s10], $0x4000  }
0xf: {  	s9 =	smov.u32 s8;
	[sflag:s10] =	ssyncset.done @!p1 $0x0  }
0x10: {  	p0 =	por !p0, !p0;
	s8 =	smov.u32 s11;
	[sflag:s10] =	ssyncadd.s32 @!p1 $0xFFFFC000  }
.LBB1_1:
0x11: {  	p1 =	sgt.u32 s7, $0x7F  }
0x12: {  	s10 =	sxor.u32 @!p1 $0xFFFFFFFF, s7  }
0x13: {  	s11 =	sshll.u32 @!p1 s8, $0xB;
	s10 =	sshll.u32 @!p1 s10, $0xE  }
0x14: {  	s12 =	simm.s32 @!p1 $0x0;
	s11 =	sadd.s32 @!p1 s3, s11;
	s10 =	sand.u32 @!p1 $0x4000, s10  }
0x15: {  	[tilespmem:s10], [sflag:$0x1] =	stream.linear.gather @!p1 [hbm4b:s11+s12], $0x4000, $0x38;
	[tilespmem:$0x10000] =	vst v63  }
0x16: {  	p1 =	seq.s32 s7, $0x0  }
0x17: {  	p2 =	seq.s32 @!p1 s7, $0x81  }
0x18: {  	p1 =	por p1, p2  }
.Ltmp2:
0x19: {  	_ = 	snop;
	(pc) =	sbr.rel @p1 .LBB1_7-.Ltmp2, $1  }
0x1a: {  	_ =	sdelay $0x3  }
0x1b: {  	s10 =	simm.s32 $0x1;
	_ =	swait.ge [sflag:s4], $0x4000;
	s12 =	sshll.u32 s7, $0xE  }
0x1c: {  	s13 =	simm.s32 $0x0;
	s10 =	simm.s32 @!p0 $0x0;
	[sflag:s4] =	ssyncset.done $0x0  }
0x1d: {  	s12 =	sand.u32 $0x4000, s12;
	s11 =	sshll.u32 s10, $0xE;
	[sflag:s4] =	ssyncadd.s32 $0xFFFFC000  }
0x1e: {  	s12 =	sor.u32 $0x8000, s12;
	s10 =	sor.u32 $0x8040, s11;
	s11 =	sor.u32 $0x40, s11  }
.LBB1_3:
0x1f: {  	v0 =	vmov s11;
	_ =	sdelay $0x3  }
0x20: {  	s15 =	simm.s32 $0x0  }
0x21: {  	v6 =	vld.idx.msk [tilespmem:v0+s15+$0x30 ss:$0x1], $0xffff  }
0x22: {  	v7 =	vld.idx.msk [tilespmem:v0+s15+$0xFFFFFFC0 ss:$0x1], $0xffff  }
0x23: {  	v5 =	vld.idx.msk [tilespmem:v0+s15+$0xFFFFFFD0 ss:$0x1], $0xffff  }
0x24: {  	v4 =	vld.idx.msk [tilespmem:v0+s15+$0xFFFFFFE0 ss:$0x1], $0xffff  }
0x25: {  	v3 =	vld.idx.msk [tilespmem:v0+s15+$0xFFFFFFF0 ss:$0x1], $0xffff  }
0x26: {  	v1 =	vld.idx.msk [tilespmem:v0+s15+$0x0 ss:$0x1], $0xffff  }
0x27: {  	v2 =	vld.idx.msk [tilespmem:v0+s15+$0x10 ss:$0x1], $0xffff;
	[tilespmem:s10+$0x30] =	vst v6  }
0x28: {  	s14 =	simm.s32 $0x80;
	s16 =	simm.s32 $0x400;
	[tilespmem:s10+$0xFFFFFFC0] =	vst v7;
	v6 =	vld.idx.msk [tilespmem:v0+s15+$0x20 ss:$0x1], $0xffff;
	s15 =	smov.u32 s10  }
.LBB1_4:
0x29: {  	p1 =	sne.s32 s16, $0xE00;
	v7 =	vld.idx.msk [tilespmem:v0+s14+$0x30 ss:$0x1], $0xffff;
	[tilespmem:s15+$0xFFFFFFD0] =	vst v5  }
0x2a: {  	v8 =	vld.idx.msk [tilespmem:v0+s14+$0xFFFFFFC0 ss:$0x1], $0xffff;
	[tilespmem:s15+$0xFFFFFFE0] =	vst v4  }
0x2b: {  	v5 =	vld.idx.msk [tilespmem:v0+s14+$0xFFFFFFD0 ss:$0x1], $0xffff;
	[tilespmem:s15+$0xFFFFFFF0] =	vst v3  }
.Ltmp3:
0x2c: {  	v4 =	vld.idx.msk [tilespmem:v0+s14+$0xFFFFFFE0 ss:$0x1], $0xffff;
	[tilespmem:s15+$0x0] =	vst v1;
	(pc) =	sbr.rel @p1 .LBB1_4-.Ltmp3, $4  }
0x2d: {  	v3 =	vld.idx.msk [tilespmem:v0+s14+$0xFFFFFFF0 ss:$0x1], $0xffff;
	[tilespmem:s15+$0x10] =	vst v2  }
0x2e: {  	v1 =	vld.idx.msk [tilespmem:v0+s14+$0x0 ss:$0x1], $0xffff;
	[tilespmem:s15+$0x20] =	vst v6;
	s15 =	sadd.s32 $0x800, s15  }
0x2f: {  	v2 =	vld.idx.msk [tilespmem:v0+s14+$0x10 ss:$0x1], $0xffff;
	[tilespmem:s15+$0x30] =	vst v7  }
0x30: {  	[tilespmem:s15+$0xFFFFFFC0] =	vst v8;
	v6 =	vld.idx.msk [tilespmem:v0+s14+$0x20 ss:$0x1], $0xffff;
	s14 =	sshra.s32 s16, $0x2;
	s16 =	sadd.s32 $0x200, s16  }
0x31: {  	_ =	sdelay $0x2  }
0x32: {  	[tilespmem:s15+$0xFFFFFFD0] =	vst v5  }
0x33: {  	v56 =	vld.idx.msk [tilespmem:v0+s14+$0x30 ss:$0x1], $0xffff;
	[tilespmem:s15+$0xFFFFFFE0] =	vst v4  }
0x34: {  	v57 =	vld.idx.msk [tilespmem:v0+s14+$0xFFFFFFC0 ss:$0x1], $0xffff;
	[tilespmem:s15+$0xFFFFFFF0] =	vst v3  }
0x35: {  	v58 =	vld.idx.msk [tilespmem:v0+s14+$0xFFFFFFD0 ss:$0x1], $0xffff;
	[tilespmem:s15+$0x0] =	vst v1  }
0x36: {  	v59 =	vld.idx.msk [tilespmem:v0+s14+$0xFFFFFFE0 ss:$0x1], $0xffff;
	[tilespmem:s15+$0x10] =	vst v2  }
0x37: {  	v60 =	vld.idx.msk [tilespmem:v0+s14+$0xFFFFFFF0 ss:$0x1], $0xffff;
	s31 =	sadd.s32 $0x800, s15;
	[tilespmem:s15+$0x20] =	vst v6  }
0x38: {  	v61 =	vld.idx.msk [tilespmem:v0+s14+$0x0 ss:$0x1], $0xffff;
	[tilespmem:s31+$0x30] =	vst v56  }
0x39: {  	v62 =	vld.idx.msk [tilespmem:v0+s14+$0x10 ss:$0x1], $0xffff;
	s13 =	sadd.s32 $0x1, s13;
	[tilespmem:s31+$0xFFFFFFC0] =	vst v57  }
0x3a: {  	v63 =	vld.idx.msk [tilespmem:v0+s14+$0x20 ss:$0x1], $0xffff;
	p1 =	sne.s32 s13, $0x10;
	[tilespmem:s31+$0xFFFFFFD0] =	vst v58  }
.Ltmp4:
0x3b: {  	[tilespmem:s31+$0xFFFFFFE0] =	vst v59;
	(pc) =	sbr.rel @p1 .LBB1_3-.Ltmp4, $4  }
0x3c: {  	[tilespmem:s31+$0xFFFFFFF0] =	vst v60  }
0x3d: {  	[tilespmem:s31+$0x0] =	vst v61  }
0x3e: {  	[tilespmem:s31+$0x10] =	vst v62  }
0x3f: {  	s10 =	sadd.s32 $0x80, s10;
	s11 =	sadd.s32 $0x400, s11;
	[tilespmem:s31+$0x20] =	vst v63  }
.Ltmp5:
0x40: {  	(pc) =	sbr.rel .LBB1_7-.Ltmp5, $4  }
0x41: {  	_ = 	snop  }
0x42: {  	s9 =	sshll.u32 s9, $0xB  }
0x43: {  	s9 =	sadd.s32 s2, s9  }
0x44: {  	[hbm4b:s9+s6] =	stream.linear.scatter [tilespmem:s12], [sflag:$0x2], $0x4000, $0x38;
	[tilespmem:$0x10000] =	vst v63  }
.LBB1_8:
0x45: {  	_ =	sfence.sel $0x180000  }
0x46: {  	s2 =	simm.s32 $0x1;
	[bflag:$0x0] =	sbarrier.arrive $0xFFFF  }
0x47: {  	s31 =	simm.s32 $0x2;
	[sflag:s2] =	ssyncpa.u1 $0x1  }
0x48: {  	[sflag:s31] =	ssyncpa.u1 $0x1  }
0x49: {  	p0 =	sne.s32 s1, $0x0;
	_ =	strace $0x9000004D  }
0x4a: {  	s0 =	sadd.s32 @!p0 $0x100000, s0;
	[bflag:$0x2] =	sbarrier.arrive $0xFFFF  }
0x4b: {  	[sflag:s0] =	ssyncadd.tile.s32 @!p0 $0x1;
	_ =	shalt  }
.Lfunc_end1:
_tile_overlayer_lowered:
.L_overlay_start_2:
0x4c: {  	(tag) =	ssettag $0x2  }
0x4d: {  	s0 =	rddreg [dreg:$0x0];
	s2 =	stileid.u32  }
0x4e: {  	s1 =	rddreg [dreg:$0x1];
	p0 =	sne.s32 s2, $0x0  }
0x4f: {  	s3 =	rddreg [dreg:$0x2];
	[bflag:$0x3] =	sbarrier.arrive $0xFFFF;
	s2 =	simm.s32 @!p0 $0x1C01  }
0x50: {  	[timem:s3], [sflag:s2] =	dma.local @!p0 [hbm:s0], s1  }
0x51: {  	s0 =	simm.s32 @!p0 $0x1  }
0x52: {  	_ =	swait.ge @!p0 [sflag:s0], s1  }
0x53: {  	s1 =	ssub.s32 @!p0 $0x0, s1;
	[sflag:s0] =	ssyncset.done @!p0 $0x0  }
0x54: {  	[sflag:s0] =	ssyncadd.s32 @!p0 s1  }
0x55: {  	[bflag:$0x3] =	sbarrier.arrive $0xFFFF  }
0x56: {  	_ =	shalt  }

// kernel: sparse-core-data-format-call.3.cloned.1.call-start
scs
called_computation.3_lowered:
.L_overlay_start_0:
0x0: {  	s2 =	sld [smem:$0x3FD9]  }
0x1: {  	s3 =	sld [smem:$0x3FFE];
	_ =	sdelay $0x1  }
0x2: {  	s1 =	srdreg.scid  }
0x3: {  	s0 =	sand.u32 $0x1, s1  }
0x4: {  	s16 =	sshll.u32 s0, $0xA;
	s2 =	sadd.s32 s3, s2  }
0x5: {  	s2 =	sadd.s32 s2, s16  }
0x6: {  	[smem:$0x3FC3] =	sst s2  }
0x7: {  	_ = 	snop  }
0x8: {  	s2 =	sld [smem:$0x3FD0];
	_ =	sdelay $0x2  }
0x9: {  	s4 =	simm.s32 $0xB;
	s5 =	simm.s32 $0x10;
	s17 =	sld [smem:$0x3FC9]  }
0xa: {  	[smem:s5], [sflag:s4] =	dma.local [hbm:s2], $0x1  }
0xb: {  	_ =	swait.eq [sflag:s4], $0x1  }
0xc: {  	[sflag:s4] =	ssyncset.done $0x0  }
0xd: {  	[sflag:s4] =	ssyncadd.s32 $0xFFFFFFFF  }
0xe: {  	s18 =	sld [smem:$0x10];
	(tm) =	ssettm $0x1  }
0xf: {  	s19 =	sld [smem:$0x3FFB];
	_ =	sdelay $0x3  }
0x10: {  	_ =	strace s19  }
0x11: {  	s4 =	sld [smem:$0x3FFC];
	_ =	sdelay $0x3  }
0x12: {  	_ =	strace s4  }
0x13: {  	s4 =	sld [smem:$0x3FFD];
	_ =	sdelay $0x3  }
0x14: {  	_ =	strace s4  }
0x15: {  	_ =	strace $0x8FFFFFFF  }
0x16: {  	s20 =	sld [smem:$0x3FDB];
	_ =	sdelay $0x1  }
0x17: {  	s21 =	simm.s32 $_scs_section_size  }
0x18: {  	s6 =	simm.s32 $_size__tile_overlayer_lowered;
	s7 =	simm.s32 $_tile_overlayer_lowered  }
0x19: {  	s24 =	simm.s32 $0x1BFF;
	s23 =	sshll.u32 s7, $0x1;
	s4 =	sadd.s32 s21, s20  }
0x1a: {  	s8 =	simm.s32 $0x0;
	s22 =	sshll.u32 s6, $0x1;
	s6 =	sadd.s32 s23, s4  }
0x1b: {  	[timem:s8], [sflag:s24] =	dma.local [hbm:s6], s22  }
0x1c: {  	_ =	swait.ge [sflag:s24], s22  }
0x1d: {  	s5 =	ssub.s32 $0x0, s22;
	[sflag:s24] =	ssyncset.done $0x0  }
0x1e: {  	[sflag:s24] =	ssyncadd.s32 s5;
	_ =	sdelay $0x1  }
0x1f: {  	s25 =	simm.s32 $0x1B8B  }
0x20: {  	_ =	swait.ge [sflag:s25], $0x1  }
0x21: {  	[sflag:s25] =	ssyncset.done $0x0  }
0x22: {  	s26 =	simm.s32 $0x1B8E;
	[sflag:s25] =	ssyncadd.s32 $0xFFFFFFFF  }
0x23: {  	s27 =	simm.s32 $execute0_lowered;
	[smem:$0x3FD2] =	sst s26  }
0x24: {  	s5 =	sshll.u32 s27, $0x1;
	_ =	strace $0x80000046;
	[dreg:$0x1] =	wrdreg $0xFFFFFFFF  }
0x25: {  	s28 =	simm.s32 $_size_execute0_lowered;
	s4 =	sadd.s32 s4, s5;
	[dreg:$0x0] =	wrdreg $0x0  }
0x26: {  	s5 =	sshll.u32 s28, $0x1;
	[dreg:$0x2] =	wrdreg s4  }
0x27: {  	[dreg:$0x3] =	wrdreg s5  }
0x28: {  	[dreg:$0x4] =	wrdreg $0xC0  }
0x29: {  	_ =	task [dreg:s8], $0x5FFFF  }
0x2a: {  	[dreg:$0x1] =	wrdreg $0xFFFFFFFF  }
0x2b: {  	[dreg:$0x0] =	wrdreg $0x60  }
0x2c: {  	[dreg:$0x2] =	wrdreg s17  }
0x2d: {  	[dreg:$0x3] =	wrdreg s18  }
0x2e: {  	[dreg:$0x4] =	wrdreg $0xA  }
0x2f: {  	_ =	task.clear_ibuf [dreg:s8], $0x5FFFF;
	_ =	strace $0x90000046  }
0x30: {  	s29 =	simm.s32 $0xA;
	_ =	strace $0x80000048  }
0x31: {  	_ =	swait.ge [sflag:s29], $0x1  }
0x32: {  	[sflag:s29] =	ssyncadd.s32 $0xFFFFFFFF  }
0x33: {  	_ =	strace $0x90000048  }
0x34: {  	_ =	sfence  }
0x35: {  	s30 =	sld [smem:$0x0];
	_ =	sdelay $0x2  }
0x36: {  	s31 =	sshll.u32 s1, $0xD;
	s1 =	sshrl.u32 s1, $0x2  }
0x37: {  	s3 =	sand.u32 $0x4000, s31;
	s1 =	sadd.s32 s1, s30  }
0x38: {  	s0 =	sor.u32 s3, s0;
	s1 =	sshll.u32 s1, $0x11  }
0x39: {  	s0 =	sor.u32 s1, s0  }
0x3a: {  	s0 =	sadd.s32 $0x8F2B, s0  }
0x3b: {  	[sflag:s0] =	ssyncadd.remote.s32 $0x1  }
0x3c: {  	_ =	sfence.sel $0xFFFF  }
0x3d: {  	[dreg:$0x0] =	wrdreg $0xFFFFFFFF;
	(pc) =	sbr.abs _section_cstart, $3  }
0x3e: {  	[dreg:$0x1] =	wrdreg $0xFFFFFFFF  }
0x3f: {  	_ =	task.clear_ibuf [dreg:s8], $0x2FFFF;
	_ =	strace $0x9FFFFFFF  }
0x40: {  	(tm) =	ssettm $0x7FFFFFFF  }
0x41: {  	_ =	shalt  }
tec
execute0_lowered:
.L_overlay_start_1:
0x0: {  	(tag) =	ssettag $0x1  }
0x1: {  	s2 =	rddreg [dreg:$0x0]  }
0x2: {  	s3 =	rddreg [dreg:$0x1]  }
0x3: {  	s0 =	rddreg [dreg:$0x2];
	s4 =	srdreg.scid  }
.Ltmp0:
0x4: {  	_ =	strace $0x80000047;
	s1 =	stileid.u32;
	(pc) =	sbr.rel .LBB1_1-.Ltmp0, $4  }
0x5: {  	s6 =	simm.s32 $0x2;
	p0 =	por $0x0, $0x0;
	s5 =	sshll.u32 s4, $0x4  }
0x6: {  	s9 =	simm.s32 $0x0;
	s4 =	simm.s32 $0x1;
	s5 =	sand.u32 $0x10, s5  }
0x7: {  	s7 =	simm.s32 $0x0;
	[sflag:s4] =	ssyncpa.u1 $0x0;
	s5 =	sor.u32 s1, s5  }
0x8: {  	[sflag:s6] =	ssyncpa.u1 $0x0;
	s6 =	simm.s32 $0x0;
	s8 =	smov.u32 s5  }
.LBB1_7:
0x9: {  	s11 =	sadd.s32 $0x20, s8  }
0xa: {  	p1 =	slt.u32 s7, $0x2;
	s7 =	sadd.s32 $0x1, s7;
	p2 =	sgt.s32 s11, $0xFFF  }
0xb: {  	s11 =	smov.u32 @p2 s5;
	p2 =	sne.s32 s7, $0x82  }
.Ltmp1:
0xc: {  	_ = 	snop;
	(pc) =	sbr.rel @!p2 .LBB1_8-.Ltmp1, $4  }
0xd: {  	s10 =	simm.s32 @!p1 $0x2  }
0xe: {  	_ =	swait.ge @!p1 [sflag:s10], $0x4000  }
0xf: {  	s9 =	smov.u32 s8;
	[sflag:s10] =	ssyncset.done @!p1 $0x0  }
0x10: {  	p0 =	por !p0, !p0;
	s8 =	smov.u32 s11;
	[sflag:s10] =	ssyncadd.s32 @!p1 $0xFFFFC000  }
.LBB1_1:
0x11: {  	p1 =	sgt.u32 s7, $0x7F  }
0x12: {  	s10 =	sxor.u32 @!p1 $0xFFFFFFFF, s7  }
0x13: {  	s11 =	sshll.u32 @!p1 s8, $0xB;
	s10 =	sshll.u32 @!p1 s10, $0xE  }
0x14: {  	s12 =	simm.s32 @!p1 $0x0;
	s11 =	sadd.s32 @!p1 s2, s11;
	s10 =	sand.u32 @!p1 $0x4000, s10  }
0x15: {  	[tilespmem:s10], [sflag:$0x1] =	stream.linear.gather @!p1 [hbm4b:s11+s12], $0x4000, $0x38;
	[tilespmem:$0x10000] =	vst v63  }
0x16: {  	p1 =	seq.s32 s7, $0x0  }
0x17: {  	p2 =	seq.s32 @!p1 s7, $0x81  }
0x18: {  	p1 =	por p1, p2  }
.Ltmp2:
0x19: {  	_ = 	snop;
	(pc) =	sbr.rel @p1 .LBB1_7-.Ltmp2, $1  }
0x1a: {  	_ =	sdelay $0x3  }
0x1b: {  	s10 =	simm.s32 $0x1;
	_ =	swait.ge [sflag:s4], $0x4000;
	s12 =	sshll.u32 s7, $0xE  }
0x1c: {  	s13 =	simm.s32 $0x0;
	s10 =	simm.s32 @!p0 $0x0;
	[sflag:s4] =	ssyncset.done $0x0  }
0x1d: {  	s12 =	sand.u32 $0x4000, s12;
	s11 =	sshll.u32 s10, $0xE;
	[sflag:s4] =	ssyncadd.s32 $0xFFFFC000  }
0x1e: {  	s12 =	sor.u32 $0x8000, s12;
	s10 =	sor.u32 $0x8040, s11;
	s11 =	sor.u32 $0x40, s11  }
.LBB1_3:
0x1f: {  	v0 =	vmov s11;
	_ =	sdelay $0x3  }
0x20: {  	s15 =	simm.s32 $0x0  }
0x21: {  	v6 =	vld.idx.msk [tilespmem:v0+s15+$0x30 ss:$0x1], $0xffff  }
0x22: {  	v7 =	vld.idx.msk [tilespmem:v0+s15+$0xFFFFFFC0 ss:$0x1], $0xffff  }
0x23: {  	v5 =	vld.idx.msk [tilespmem:v0+s15+$0xFFFFFFD0 ss:$0x1], $0xffff  }
0x24: {  	v4 =	vld.idx.msk [tilespmem:v0+s15+$0xFFFFFFE0 ss:$0x1], $0xffff  }
0x25: {  	v3 =	vld.idx.msk [tilespmem:v0+s15+$0xFFFFFFF0 ss:$0x1], $0xffff  }
0x26: {  	v1 =	vld.idx.msk [tilespmem:v0+s15+$0x0 ss:$0x1], $0xffff  }
0x27: {  	v2 =	vld.idx.msk [tilespmem:v0+s15+$0x10 ss:$0x1], $0xffff;
	[tilespmem:s10+$0x30] =	vst v6  }
0x28: {  	s14 =	simm.s32 $0x80;
	s16 =	simm.s32 $0x400;
	[tilespmem:s10+$0xFFFFFFC0] =	vst v7;
	v6 =	vld.idx.msk [tilespmem:v0+s15+$0x20 ss:$0x1], $0xffff;
	s15 =	smov.u32 s10  }
.LBB1_4:
0x29: {  	p1 =	sne.s32 s16, $0x1E00;
	v7 =	vld.idx.msk [tilespmem:v0+s14+$0x30 ss:$0x1], $0xffff;
	[tilespmem:s15+$0xFFFFFFD0] =	vst v5  }
0x2a: {  	v8 =	vld.idx.msk [tilespmem:v0+s14+$0xFFFFFFC0 ss:$0x1], $0xffff;
	[tilespmem:s15+$0xFFFFFFE0] =	vst v4  }
0x2b: {  	v5 =	vld.idx.msk [tilespmem:v0+s14+$0xFFFFFFD0 ss:$0x1], $0xffff;
	[tilespmem:s15+$0xFFFFFFF0] =	vst v3  }
.Ltmp3:
0x2c: {  	v4 =	vld.idx.msk [tilespmem:v0+s14+$0xFFFFFFE0 ss:$0x1], $0xffff;
	[tilespmem:s15+$0x0] =	vst v1;
	(pc) =	sbr.rel @p1 .LBB1_4-.Ltmp3, $4  }
0x2d: {  	v3 =	vld.idx.msk [tilespmem:v0+s14+$0xFFFFFFF0 ss:$0x1], $0xffff;
	[tilespmem:s15+$0x10] =	vst v2  }
0x2e: {  	v1 =	vld.idx.msk [tilespmem:v0+s14+$0x0 ss:$0x1], $0xffff;
	[tilespmem:s15+$0x20] =	vst v6;
	s15 =	sadd.s32 $0x400, s15  }
0x2f: {  	v2 =	vld.idx.msk [tilespmem:v0+s14+$0x10 ss:$0x1], $0xffff;
	[tilespmem:s15+$0x30] =	vst v7  }
0x30: {  	[tilespmem:s15+$0xFFFFFFC0] =	vst v8;
	v6 =	vld.idx.msk [tilespmem:v0+s14+$0x20 ss:$0x1], $0xffff;
	s14 =	sshra.s32 s16, $0x2;
	s16 =	sadd.s32 $0x200, s16  }
0x31: {  	_ =	sdelay $0x2  }
0x32: {  	[tilespmem:s15+$0xFFFFFFD0] =	vst v5  }
0x33: {  	v56 =	vld.idx.msk [tilespmem:v0+s14+$0x30 ss:$0x1], $0xffff;
	[tilespmem:s15+$0xFFFFFFE0] =	vst v4  }
0x34: {  	v57 =	vld.idx.msk [tilespmem:v0+s14+$0xFFFFFFC0 ss:$0x1], $0xffff;
	[tilespmem:s15+$0xFFFFFFF0] =	vst v3  }
0x35: {  	v58 =	vld.idx.msk [tilespmem:v0+s14+$0xFFFFFFD0 ss:$0x1], $0xffff;
	[tilespmem:s15+$0x0] =	vst v1  }
0x36: {  	v59 =	vld.idx.msk [tilespmem:v0+s14+$0xFFFFFFE0 ss:$0x1], $0xffff;
	[tilespmem:s15+$0x10] =	vst v2  }
0x37: {  	v60 =	vld.idx.msk [tilespmem:v0+s14+$0xFFFFFFF0 ss:$0x1], $0xffff;
	s31 =	sadd.s32 $0x400, s15;
	[tilespmem:s15+$0x20] =	vst v6  }
0x38: {  	v61 =	vld.idx.msk [tilespmem:v0+s14+$0x0 ss:$0x1], $0xffff;
	[tilespmem:s31+$0x30] =	vst v56  }
0x39: {  	v62 =	vld.idx.msk [tilespmem:v0+s14+$0x10 ss:$0x1], $0xffff;
	s13 =	sadd.s32 $0x1, s13;
	[tilespmem:s31+$0xFFFFFFC0] =	vst v57  }
0x3a: {  	v63 =	vld.idx.msk [tilespmem:v0+s14+$0x20 ss:$0x1], $0xffff;
	p1 =	sne.s32 s13, $0x8;
	[tilespmem:s31+$0xFFFFFFD0] =	vst v58  }
.Ltmp4:
0x3b: {  	[tilespmem:s31+$0xFFFFFFE0] =	vst v59;
	(pc) =	sbr.rel @p1 .LBB1_3-.Ltmp4, $4  }
0x3c: {  	[tilespmem:s31+$0xFFFFFFF0] =	vst v60  }
0x3d: {  	[tilespmem:s31+$0x0] =	vst v61  }
0x3e: {  	[tilespmem:s31+$0x10] =	vst v62  }
0x3f: {  	s10 =	sadd.s32 $0x80, s10;
	s11 =	sadd.s32 $0x800, s11;
	[tilespmem:s31+$0x20] =	vst v63  }
.Ltmp5:
0x40: {  	(pc) =	sbr.rel .LBB1_7-.Ltmp5, $4  }
0x41: {  	_ = 	snop  }
0x42: {  	s9 =	sshll.u32 s9, $0xB  }
0x43: {  	s9 =	sadd.s32 s3, s9  }
0x44: {  	[hbm4b:s9+s6] =	stream.linear.scatter [tilespmem:s12], [sflag:$0x2], $0x4000, $0x38;
	[tilespmem:$0x10000] =	vst v63  }
.LBB1_8:
0x45: {  	_ =	sfence.sel $0x180000  }
0x46: {  	s2 =	simm.s32 $0x1;
	[bflag:$0x0] =	sbarrier.arrive $0xFFFF  }
0x47: {  	s31 =	simm.s32 $0x2;
	[sflag:s2] =	ssyncpa.u1 $0x1  }
0x48: {  	[sflag:s31] =	ssyncpa.u1 $0x1  }
0x49: {  	p0 =	sne.s32 s1, $0x0;
	_ =	strace $0x90000047  }
0x4a: {  	s0 =	sadd.s32 @!p0 $0x100000, s0;
	[bflag:$0x2] =	sbarrier.arrive $0xFFFF  }
0x4b: {  	[sflag:s0] =	ssyncadd.tile.s32 @!p0 $0x1;
	_ =	shalt  }
.Lfunc_end1:
_tile_overlayer_lowered:
.L_overlay_start_2:
0x4c: {  	(tag) =	ssettag $0x2  }
0x4d: {  	s0 =	rddreg [dreg:$0x0];
	s2 =	stileid.u32  }
0x4e: {  	s1 =	rddreg [dreg:$0x1];
	p0 =	sne.s32 s2, $0x0  }
0x4f: {  	s3 =	rddreg [dreg:$0x2];
	[bflag:$0x3] =	sbarrier.arrive $0xFFFF;
	s2 =	simm.s32 @!p0 $0x1C01  }
0x50: {  	[timem:s3], [sflag:s2] =	dma.local @!p0 [hbm:s0], s1  }
0x51: {  	s0 =	simm.s32 @!p0 $0x1  }
0x52: {  	_ =	swait.ge @!p0 [sflag:s0], s1  }
0x53: {  	s1 =	ssub.s32 @!p0 $0x0, s1;
	[sflag:s0] =	ssyncset.done @!p0 $0x0  }
0x54: {  	[sflag:s0] =	ssyncadd.s32 @!p0 s1  }
0x55: {  	[bflag:$0x3] =	sbarrier.arrive $0xFFFF  }
0x56: {  	_ =	shalt  }

// kernel: sparse-core-data-format-call.cloned.1.call-start
scs
called_computation_lowered:
.L_overlay_start_0:
0x0: {  	s2 =	sld [smem:$0x3FD9]  }
0x1: {  	s3 =	sld [smem:$0x3FFE];
	_ =	sdelay $0x1  }
0x2: {  	s1 =	srdreg.scid  }
0x3: {  	s0 =	sand.u32 $0x1, s1  }
0x4: {  	s16 =	sshll.u32 s0, $0xA;
	s2 =	sadd.s32 s3, s2  }
0x5: {  	s2 =	sadd.s32 s2, s16  }
0x6: {  	[smem:$0x3FC3] =	sst s2  }
0x7: {  	_ = 	snop  }
0x8: {  	s2 =	sld [smem:$0x3FD0];
	_ =	sdelay $0x2  }
0x9: {  	s17 =	simm.s32 $0xB;
	s4 =	simm.s32 $0x10  }
0xa: {  	[smem:s4], [sflag:s17] =	dma.local [hbm:s2], $0x1  }
0xb: {  	_ =	swait.eq [sflag:s17], $0x1  }
0xc: {  	[sflag:s17] =	ssyncset.done $0x0  }
0xd: {  	[sflag:s17] =	ssyncadd.s32 $0xFFFFFFFF  }
0xe: {  	s18 =	sld [smem:$0x11];
	(tm) =	ssettm $0x1  }
0xf: {  	s19 =	sld [smem:$0x3FFB];
	_ =	sdelay $0x3  }
0x10: {  	_ =	strace s19  }
0x11: {  	s2 =	sld [smem:$0x3FFC];
	_ =	sdelay $0x3  }
0x12: {  	_ =	strace s2  }
0x13: {  	s2 =	sld [smem:$0x3FFD];
	_ =	sdelay $0x3  }
0x14: {  	_ =	strace s2  }
0x15: {  	_ =	strace $0x8FFFFFFF  }
0x16: {  	s20 =	sld [smem:$0x3FDB];
	_ =	sdelay $0x1  }
0x17: {  	s21 =	simm.s32 $_scs_section_size  }
0x18: {  	s5 =	simm.s32 $_size__tile_overlayer_lowered;
	s6 =	simm.s32 $_tile_overlayer_lowered  }
0x19: {  	s7 =	simm.s32 $0x1BFF;
	s22 =	sshll.u32 s6, $0x1;
	s4 =	sadd.s32 s21, s20  }
0x1a: {  	s23 =	simm.s32 $0x0;
	s5 =	sshll.u32 s5, $0x1;
	s6 =	sadd.s32 s22, s4  }
0x1b: {  	[timem:s23], [sflag:s7] =	dma.local [hbm:s6], s5  }
0x1c: {  	_ =	swait.ge [sflag:s7], s5  }
0x1d: {  	s5 =	ssub.s32 $0x0, s5;
	[sflag:s7] =	ssyncset.done $0x0  }
0x1e: {  	[sflag:s7] =	ssyncadd.s32 s5;
	_ =	sdelay $0x1  }
0x1f: {  	s24 =	simm.s32 $0x1B8B  }
0x20: {  	_ =	swait.ge [sflag:s24], $0x1  }
0x21: {  	[sflag:s24] =	ssyncset.done $0x0  }
0x22: {  	[sflag:s24] =	ssyncadd.s32 $0xFFFFFFFF  }
0x23: {  	s5 =	sld [smem:$0x0]  }
0x24: {  	s6 =	sand.u32 $0xFFFFFFFE, s1  }
0x25: {  	p0 =	sne.s32 s1, s6  }
0x26: {  	s6 =	sshll.u32 @p0 s6, $0xE  }
0x27: {  	s6 =	sadd.s32 @p0 $0x11B8D, s6;
	s7 =	sshll.u32 @p0 s5, $0x11  }
0x28: {  	s6 =	sor.u32 @p0 s7, s6  }
0x29: {  	[sflag:s6] =	ssyncadd.remote.s32 @p0 $0x1;
	_ =	sdelay $0x1  }
0x2a: {  	s6 =	simm.s32 @p0 $0x1B8D  }
0x2b: {  	_ =	swait.eq @p0 [sflag:s6], $0x1  }
0x2c: {  	[sflag:s6] =	ssyncadd.s32 @p0 $0xFFFFFFFF  }
0x2d: {  	s7 =	sshll.u32 @!p0 s1, $0xE  }
0x2e: {  	s7 =	sor.u32 @!p0 $0x4000, s7;
	s6 =	simm.s32 @!p0 $0x1B8D  }
0x2f: {  	s5 =	sshll.u32 @!p0 s5, $0x11;
	s7 =	sadd.s32 @!p0 $0x11B8D, s7;
	_ =	swait.eq @!p0 [sflag:s6], $0x1  }
0x30: {  	s5 =	sor.u32 @!p0 s5, s7;
	[sflag:s6] =	ssyncadd.s32 @!p0 $0xFFFFFFFF  }
0x31: {  	s26 =	simm.s32 $0x1B8E;
	s25 =	sld [smem:$0x3FFE];
	[sflag:s5] =	ssyncadd.remote.s32 @!p0 $0x1  }
0x32: {  	s27 =	simm.s32 $execute0_lowered;
	[smem:$0x3FD2] =	sst s26  }
0x33: {  	s6 =	sshll.u32 s27, $0x1;
	_ =	strace $0x8000004F;
	[dreg:$0x1] =	wrdreg $0xFFFFFFFF  }
0x34: {  	s28 =	simm.s32 $_size_execute0_lowered;
	s4 =	sadd.s32 s4, s6;
	[dreg:$0x0] =	wrdreg $0x0  }
0x35: {  	s6 =	sshll.u32 s28, $0x1;
	[dreg:$0x2] =	wrdreg s4  }
0x36: {  	[dreg:$0x3] =	wrdreg s6  }
0x37: {  	[dreg:$0x4] =	wrdreg $0xC0  }
0x38: {  	_ =	task [dreg:s23], $0x5FFFF  }
0x39: {  	[dreg:$0x1] =	wrdreg $0xFFFFFFFF  }
0x3a: {  	[dreg:$0x0] =	wrdreg $0x60  }
0x3b: {  	[dreg:$0x2] =	wrdreg s25  }
0x3c: {  	[dreg:$0x3] =	wrdreg s18  }
0x3d: {  	[dreg:$0x4] =	wrdreg $0x9  }
0x3e: {  	_ =	task.clear_ibuf [dreg:s23], $0x5FFFF;
	_ =	strace $0x9000004F  }
0x3f: {  	s29 =	simm.s32 $0x9;
	_ =	strace $0x80000051  }
0x40: {  	_ =	swait.ge [sflag:s29], $0x1  }
0x41: {  	[sflag:s29] =	ssyncadd.s32 $0xFFFFFFFF  }
0x42: {  	_ =	strace $0x90000051  }
0x43: {  	_ =	sfence  }
0x44: {  	s30 =	sld [smem:$0x0];
	_ =	sdelay $0x2  }
0x45: {  	s31 =	sshll.u32 s1, $0xD;
	s1 =	sshrl.u32 s1, $0x2  }
0x46: {  	s4 =	sand.u32 $0x4000, s31;
	s1 =	sadd.s32 s1, s30  }
0x47: {  	s0 =	sor.u32 s4, s0;
	s1 =	sshll.u32 s1, $0x11  }
0x48: {  	s0 =	sor.u32 s1, s0  }
0x49: {  	s0 =	sadd.s32 $0x8F2B, s0  }
0x4a: {  	[sflag:s0] =	ssyncadd.remote.s32 $0x1  }
0x4b: {  	_ =	sfence.sel $0xFFFF  }
0x4c: {  	[dreg:$0x0] =	wrdreg $0xFFFFFFFF;
	(pc) =	sbr.abs _section_cstart, $3  }
0x4d: {  	[dreg:$0x1] =	wrdreg $0xFFFFFFFF  }
0x4e: {  	_ =	task.clear_ibuf [dreg:s23], $0x2FFFF;
	_ =	strace $0x9FFFFFFF  }
0x4f: {  	(tm) =	ssettm $0x7FFFFFFF  }
tec
execute0_lowered:
.L_overlay_start_1:
0x0: {  	(tag) =	ssettag $0x1  }
0x1: {  	s1 =	rddreg [dreg:$0x0]  }
0x2: {  	s2 =	rddreg [dreg:$0x1]  }
0x3: {  	s0 =	rddreg [dreg:$0x2];
	_ =	strace $0x80000050;
	s4 =	srdreg.scid  }
.Ltmp0:
0x4: {  	s6 =	simm.s32 $0x2;
	p0 =	por $0x0, $0x0;
	(pc) =	sbr.rel .LBB1_1-.Ltmp0, $4  }
0x5: {  	s9 =	simm.s32 $0x0;
	s3 =	sadd.s32 $0x801600, s1;
	s5 =	sshll.u32 s4, $0x4  }
0x6: {  	s1 =	stileid.u32;
	s4 =	simm.s32 $0x1;
	s5 =	sand.u32 $0x10, s5  }
0x7: {  	s7 =	simm.s32 $0x0;
	[sflag:s4] =	ssyncpa.u1 $0x0;
	s5 =	sor.u32 s1, s5  }
0x8: {  	[sflag:s6] =	ssyncpa.u1 $0x0;
	s6 =	simm.s32 $0x0;
	s8 =	smov.u32 s5  }
.LBB1_7:
0x9: {  	s11 =	sadd.s32 $0x20, s8  }
0xa: {  	p1 =	slt.u32 s7, $0x2;
	s7 =	sadd.s32 $0x1, s7;
	p2 =	sgt.s32 s11, $0xFFF  }
0xb: {  	s11 =	smov.u32 @p2 s5;
	p2 =	sne.s32 s7, $0x82  }
.Ltmp1:
0xc: {  	_ = 	snop;
	(pc) =	sbr.rel @!p2 .LBB1_8-.Ltmp1, $4  }
0xd: {  	s10 =	simm.s32 @!p1 $0x2  }
0xe: {  	_ =	swait.ge @!p1 [sflag:s10], $0x4000  }
0xf: {  	s9 =	smov.u32 s8;
	[sflag:s10] =	ssyncset.done @!p1 $0x0  }
0x10: {  	p0 =	por !p0, !p0;
	s8 =	smov.u32 s11;
	[sflag:s10] =	ssyncadd.s32 @!p1 $0xFFFFC000  }
.LBB1_1:
0x11: {  	p1 =	sgt.u32 s7, $0x7F  }
0x12: {  	s10 =	sxor.u32 @!p1 $0xFFFFFFFF, s7  }
0x13: {  	s11 =	sshll.u32 @!p1 s8, $0xB;
	s10 =	sshll.u32 @!p1 s10, $0xE  }
0x14: {  	s12 =	simm.s32 @!p1 $0x0;
	s11 =	sadd.s32 @!p1 s3, s11;
	s10 =	sand.u32 @!p1 $0x4000, s10  }
0x15: {  	[tilespmem:s10], [sflag:$0x1] =	stream.linear.gather @!p1 [hbm4b:s11+s12], $0x4000, $0x38;
	[tilespmem:$0x10000] =	vst v63  }
0x16: {  	p1 =	seq.s32 s7, $0x0  }
0x17: {  	p2 =	seq.s32 @!p1 s7, $0x81  }
0x18: {  	p1 =	por p1, p2  }
.Ltmp2:
0x19: {  	_ = 	snop;
	(pc) =	sbr.rel @p1 .LBB1_7-.Ltmp2, $1  }
0x1a: {  	_ =	sdelay $0x3  }
0x1b: {  	s10 =	simm.s32 $0x1;
	_ =	swait.ge [sflag:s4], $0x4000;
	s12 =	sshll.u32 s7, $0xE  }
0x1c: {  	s13 =	simm.s32 $0x0;
	s10 =	simm.s32 @!p0 $0x0;
	[sflag:s4] =	ssyncset.done $0x0  }
0x1d: {  	s12 =	sand.u32 $0x4000, s12;
	s11 =	sshll.u32 s10, $0xE;
	[sflag:s4] =	ssyncadd.s32 $0xFFFFC000  }
0x1e: {  	s12 =	sor.u32 $0x8000, s12;
	s10 =	sor.u32 $0x8040, s11;
	s11 =	sor.u32 $0x40, s11  }
.LBB1_3:
0x1f: {  	v0 =	vmov s11;
	_ =	sdelay $0x3  }
0x20: {  	s15 =	simm.s32 $0x0  }
0x21: {  	v6 =	vld.idx.msk [tilespmem:v0+s15+$0x30 ss:$0x1], $0xffff  }
0x22: {  	v7 =	vld.idx.msk [tilespmem:v0+s15+$0xFFFFFFC0 ss:$0x1], $0xffff  }
0x23: {  	v5 =	vld.idx.msk [tilespmem:v0+s15+$0xFFFFFFD0 ss:$0x1], $0xffff  }
0x24: {  	v4 =	vld.idx.msk [tilespmem:v0+s15+$0xFFFFFFE0 ss:$0x1], $0xffff  }
0x25: {  	v3 =	vld.idx.msk [tilespmem:v0+s15+$0xFFFFFFF0 ss:$0x1], $0xffff  }
0x26: {  	v1 =	vld.idx.msk [tilespmem:v0+s15+$0x0 ss:$0x1], $0xffff  }
0x27: {  	v2 =	vld.idx.msk [tilespmem:v0+s15+$0x10 ss:$0x1], $0xffff;
	[tilespmem:s10+$0x30] =	vst v6  }
0x28: {  	s14 =	simm.s32 $0x80;
	s16 =	simm.s32 $0x400;
	[tilespmem:s10+$0xFFFFFFC0] =	vst v7;
	v6 =	vld.idx.msk [tilespmem:v0+s15+$0x20 ss:$0x1], $0xffff;
	s15 =	smov.u32 s10  }
.LBB1_4:
0x29: {  	p1 =	sne.s32 s16, $0xE00;
	v7 =	vld.idx.msk [tilespmem:v0+s14+$0x30 ss:$0x1], $0xffff;
	[tilespmem:s15+$0xFFFFFFD0] =	vst v5  }
0x2a: {  	v8 =	vld.idx.msk [tilespmem:v0+s14+$0xFFFFFFC0 ss:$0x1], $0xffff;
	[tilespmem:s15+$0xFFFFFFE0] =	vst v4  }
0x2b: {  	v5 =	vld.idx.msk [tilespmem:v0+s14+$0xFFFFFFD0 ss:$0x1], $0xffff;
	[tilespmem:s15+$0xFFFFFFF0] =	vst v3  }
.Ltmp3:
0x2c: {  	v4 =	vld.idx.msk [tilespmem:v0+s14+$0xFFFFFFE0 ss:$0x1], $0xffff;
	[tilespmem:s15+$0x0] =	vst v1;
	(pc) =	sbr.rel @p1 .LBB1_4-.Ltmp3, $4  }
0x2d: {  	v3 =	vld.idx.msk [tilespmem:v0+s14+$0xFFFFFFF0 ss:$0x1], $0xffff;
	[tilespmem:s15+$0x10] =	vst v2  }
0x2e: {  	v1 =	vld.idx.msk [tilespmem:v0+s14+$0x0 ss:$0x1], $0xffff;
	[tilespmem:s15+$0x20] =	vst v6;
	s15 =	sadd.s32 $0x800, s15  }
0x2f: {  	v2 =	vld.idx.msk [tilespmem:v0+s14+$0x10 ss:$0x1], $0xffff;
	[tilespmem:s15+$0x30] =	vst v7  }
0x30: {  	[tilespmem:s15+$0xFFFFFFC0] =	vst v8;
	v6 =	vld.idx.msk [tilespmem:v0+s14+$0x20 ss:$0x1], $0xffff;
	s14 =	sshra.s32 s16, $0x2;
	s16 =	sadd.s32 $0x200, s16  }
0x31: {  	_ =	sdelay $0x2  }
0x32: {  	[tilespmem:s15+$0xFFFFFFD0] =	vst v5  }
0x33: {  	v56 =	vld.idx.msk [tilespmem:v0+s14+$0x30 ss:$0x1], $0xffff;
	[tilespmem:s15+$0xFFFFFFE0] =	vst v4  }
0x34: {  	v57 =	vld.idx.msk [tilespmem:v0+s14+$0xFFFFFFC0 ss:$0x1], $0xffff;
	[tilespmem:s15+$0xFFFFFFF0] =	vst v3  }
0x35: {  	v58 =	vld.idx.msk [tilespmem:v0+s14+$0xFFFFFFD0 ss:$0x1], $0xffff;
	[tilespmem:s15+$0x0] =	vst v1  }
0x36: {  	v59 =	vld.idx.msk [tilespmem:v0+s14+$0xFFFFFFE0 ss:$0x1], $0xffff;
	[tilespmem:s15+$0x10] =	vst v2  }
0x37: {  	v60 =	vld.idx.msk [tilespmem:v0+s14+$0xFFFFFFF0 ss:$0x1], $0xffff;
	s31 =	sadd.s32 $0x800, s15;
	[tilespmem:s15+$0x20] =	vst v6  }
0x38: {  	v61 =	vld.idx.msk [tilespmem:v0+s14+$0x0 ss:$0x1], $0xffff;
	[tilespmem:s31+$0x30] =	vst v56  }
0x39: {  	v62 =	vld.idx.msk [tilespmem:v0+s14+$0x10 ss:$0x1], $0xffff;
	s13 =	sadd.s32 $0x1, s13;
	[tilespmem:s31+$0xFFFFFFC0] =	vst v57  }
0x3a: {  	v63 =	vld.idx.msk [tilespmem:v0+s14+$0x20 ss:$0x1], $0xffff;
	p1 =	sne.s32 s13, $0x10;
	[tilespmem:s31+$0xFFFFFFD0] =	vst v58  }
.Ltmp4:
0x3b: {  	[tilespmem:s31+$0xFFFFFFE0] =	vst v59;
	(pc) =	sbr.rel @p1 .LBB1_3-.Ltmp4, $4  }
0x3c: {  	[tilespmem:s31+$0xFFFFFFF0] =	vst v60  }
0x3d: {  	[tilespmem:s31+$0x0] =	vst v61  }
0x3e: {  	[tilespmem:s31+$0x10] =	vst v62  }
0x3f: {  	s10 =	sadd.s32 $0x80, s10;
	s11 =	sadd.s32 $0x400, s11;
	[tilespmem:s31+$0x20] =	vst v63  }
.Ltmp5:
0x40: {  	(pc) =	sbr.rel .LBB1_7-.Ltmp5, $4  }
0x41: {  	_ = 	snop  }
0x42: {  	s9 =	sshll.u32 s9, $0xB  }
0x43: {  	s9 =	sadd.s32 s2, s9  }
0x44: {  	[hbm4b:s9+s6] =	stream.linear.scatter [tilespmem:s12], [sflag:$0x2], $0x4000, $0x38;
	[tilespmem:$0x10000] =	vst v63  }
.LBB1_8:
0x45: {  	_ =	sfence.sel $0x180000  }
0x46: {  	s2 =	simm.s32 $0x1;
	[bflag:$0x0] =	sbarrier.arrive $0xFFFF  }
0x47: {  	s31 =	simm.s32 $0x2;
	[sflag:s2] =	ssyncpa.u1 $0x1  }
0x48: {  	[sflag:s31] =	ssyncpa.u1 $0x1  }
0x49: {  	p0 =	sne.s32 s1, $0x0;
	_ =	strace $0x90000050  }
0x4a: {  	s0 =	sadd.s32 @!p0 $0x100000, s0;
	[bflag:$0x2] =	sbarrier.arrive $0xFFFF  }
0x4b: {  	[sflag:s0] =	ssyncadd.tile.s32 @!p0 $0x1;
	_ =	shalt  }
.Lfunc_end1:
_tile_overlayer_lowered:
.L_overlay_start_2:
0x4c: {  	(tag) =	ssettag $0x2  }
0x4d: {  	s0 =	rddreg [dreg:$0x0];
	s2 =	stileid.u32  }
0x4e: {  	s1 =	rddreg [dreg:$0x1];
	p0 =	sne.s32 s2, $0x0  }
0x4f: {  	s3 =	rddreg [dreg:$0x2];
	[bflag:$0x3] =	sbarrier.arrive $0xFFFF;
	s2 =	simm.s32 @!p0 $0x1C01  }
0x50: {  	[timem:s3], [sflag:s2] =	dma.local @!p0 [hbm:s0], s1  }
0x51: {  	s0 =	simm.s32 @!p0 $0x1  }
0x52: {  	_ =	swait.ge @!p0 [sflag:s0], s1  }
0x53: {  	s1 =	ssub.s32 @!p0 $0x0, s1;
	[sflag:s0] =	ssyncset.done @!p0 $0x0  }
0x54: {  	[sflag:s0] =	ssyncadd.s32 @!p0 s1  }
0x55: {  	[bflag:$0x3] =	sbarrier.arrive $0xFFFF  }
0x56: {  	_ =	shalt  }

</sc_bundles>
